<compile_context>
chip_gen: v7x
topology: tpu7x:2x2x1
jax: 0.10.2.dev20260603
libtpu: 0.0.44.dev20260713+nightly
codegen_flags: <defaults>
</compile_context>

<pallas_src>
import functools

import jax
import jax.numpy as jnp
from jax import lax
from jax.experimental import pallas as pl
from jax.experimental.pallas import tpu as pltpu
from jax.experimental.pallas import tpu_sc as plsc

_NC = 2
_NS = 16
_B = 128
_NBT = 80
_PAD = 512


def _sc_mesh():
    return plsc.VectorSubcoreMesh(core_axis_name="c", subcore_axis_name="s")


def _round256(n):
    return (n + 255) & ~255


@functools.partial(jax.jit, static_argnames=("n",))
def _sc_degrees(ei2, ones_h, zeros_h, n):
    nb_tot = ei2.shape[0]
    nb = nb_tot // (_NC * _NS)
    ra = (n // _NS) & ~7
    tail = n - ra * _NS

    @functools.partial(
        pl.kernel,
        mesh=_sc_mesh(),
        out_type=jax.ShapeDtypeStruct((2, _NC, _round256(n + _PAD)),
                                      jnp.float32),
        scratch_types=[
            pltpu.VMEM((nb, 128), jnp.int32),
            pltpu.VMEM((2, 128), jnp.int32),
            pltpu.VMEM((128,), jnp.float32),
            pltpu.VMEM_SHARED((_round256(n + _PAD),), jnp.float32),
            pltpu.VMEM_SHARED((_round256(n + _PAD),), jnp.float32),
        ],
    )
    def hist(ei_h, ones_hbm, zeros_hbm, out_h, ei_v, stg, ones_v,
             acc_s, acc_d):
        core = lax.axis_index("c")
        sub = lax.axis_index("s")
        row0 = (core * _NS + sub) * nb
        pltpu.sync_copy(ei_h.at[pl.ds(row0, nb)], ei_v)
        pltpu.sync_copy(ones_hbm, ones_v)

        @pl.when(sub == 0)
        def _():
            pltpu.sync_copy(zeros_hbm, acc_s)
            pltpu.sync_copy(zeros_hbm, acc_d)

        plsc.subcore_barrier()

        def body(j, carry):
            for d in range(2):
                for q in range(4):
                    v = ei_v[j, pl.ds(d * 64 + q * 16, 16)]
                    stg[d, pl.ds(q * 32, 16)] = v & 0xFFFF
                    stg[d, pl.ds(q * 32 + 16, 16)] = (
                        lax.shift_right_logical(v, 16))
            pltpu.sync_copy(ones_v, acc_s.at[stg.at[0]], add=True)
            pltpu.sync_copy(ones_v, acc_d.at[stg.at[1]], add=True)
            return carry

        lax.fori_loop(0, nb, body, 0)
        plsc.subcore_barrier()

        @pl.when(sub == 0)
        def _():
            pltpu.sync_copy(acc_s, out_h.at[0].at[core])
            pltpu.sync_copy(acc_d, out_h.at[1].at[core])

    return hist(ei2, ones_h, zeros_h)


@functools.partial(jax.jit, static_argnames=("n", "fc", "c_chunks"))
def _sc_msgpass(msg, ei2, zeros_h, n, fc, c_chunks):
    nb_tot = ei2.shape[0]
    nb = nb_tot // (_NC * _NS)
    ra = (n // _NS) & ~7
    tail = n - ra * _NS

    @functools.partial(
        pl.kernel,
        mesh=_sc_mesh(),
        out_type=jax.ShapeDtypeStruct((c_chunks, _NC, n, fc), jnp.float32),
        scratch_types=[
            pltpu.VMEM((nb, 128), jnp.int32),
            pltpu.VMEM((4, 2, _B), jnp.int32),
            pltpu.VMEM((2, _B, fc), jnp.float32),
            pltpu.VMEM_SHARED((n + _PAD, fc), jnp.float32),
            pltpu.SemaphoreType.DMA,
            pltpu.SemaphoreType.DMA,
        ],
    )
    def msgpass(msg_h, ei_h, zeros_hbm, out_h, ei_v, stg, rows, acc,
                sem0, sem1):
        core = lax.axis_index("c")
        sub = lax.axis_index("s")
        row0 = (core * _NS + sub) * nb
        pltpu.sync_copy(ei_h.at[pl.ds(row0, nb)], ei_v)
        sl = pl.ds(sub * ra, ra)
        tl = pl.ds(ra * _NS, tail)
        sems = (sem0, sem1)

        def unpack(j, b):
            for d in range(2):
                for q in range(4):
                    v = ei_v[j, pl.ds(d * 64 + q * 16, 16)]
                    stg[b, d, pl.ds(q * 32, 16)] = v & 0xFFFF
                    stg[b, d, pl.ds(q * 32 + 16, 16)] = (
                        lax.shift_right_logical(v, 16))

        for c in range(c_chunks):
            m = msg_h.at[c]

            @pl.when(core == 0)
            def _():
                pltpu.sync_copy(m.at[sl], acc.at[sl])

                @pl.when(sub == 0)
                def _():
                    pltpu.sync_copy(m.at[tl], acc.at[tl])

            @pl.when(core == 1)
            def _():
                pltpu.sync_copy(zeros_hbm.at[pl.ds(0, ra)], acc.at[sl])

                @pl.when(sub == 0)
                def _():
                    pltpu.sync_copy(zeros_hbm.at[pl.ds(0, tail)],
                                    acc.at[tl])

            plsc.subcore_barrier()

            unpack(0, 0)
            unpack(1, 1)
            pltpu.async_copy(m.at[stg.at[0, 0]], rows.at[0], sems[0])
            pltpu.async_copy(m.at[stg.at[1, 0]], rows.at[1], sems[1])
            unpack(2, 2)
            unpack(3, 3)

            def body(i, carry):
                j = 4 * i
                for t in range(4):
                    k = j + t
                    b = t & 1
                    pltpu.make_async_copy(m.at[stg.at[t, 0]], rows.at[b],
                                          sems[b]).wait()
                    pltpu.sync_copy(rows.at[b], acc.at[stg.at[t, 1]],
                                    add=True)

                    @pl.when(k + 2 < nb)
                    def _():
                        pltpu.async_copy(m.at[stg.at[(t + 2) & 3, 0]],
                                         rows.at[b], sems[b])

                    @pl.when(k + 4 < nb)
                    def _():
                        unpack(k + 4, t)

                return carry

            lax.fori_loop(0, nb // 4, body, 0)
            plsc.subcore_barrier()
            pltpu.sync_copy(acc.at[sl], out_h.at[c].at[core].at[sl])

            @pl.when(sub == 0)
            def _():
                pltpu.sync_copy(acc.at[tl], out_h.at[c].at[core].at[tl])

            plsc.subcore_barrier()

    return msgpass(msg, ei2, zeros_h)


def _tc_norms_and_first(x, degs, corr, W1, S1w, S1b):
    n, d = x.shape
    f1 = W1.shape[1]

    def body(x_ref, degs_ref, corr_ref, w_ref, sw_ref, sb_ref, nsrc_ref,
             ndst_ref, msg_ref, s_ref):
        ds_ = degs_ref[0, 0] + degs_ref[0, 1] + 1.0 - corr_ref[...]
        dd_ = degs_ref[1, 0] + degs_ref[1, 1] + 1.0
        nsrc = lax.rsqrt(jnp.maximum(ds_, 1.0))
        ndst = lax.rsqrt(jnp.maximum(dd_, 1.0))
        nsrc_ref[...] = nsrc
        ndst_ref[...] = ndst
        xw = jnp.dot(x_ref[...], w_ref[...],
                     preferred_element_type=jnp.float32)
        msg_ref[0] = xw * nsrc
        s_ref[...] = jnp.dot(x_ref[...], sw_ref[...],
                             preferred_element_type=jnp.float32) + sb_ref[...]

    return pl.pallas_call(
        body,
        out_shape=[
            jax.ShapeDtypeStruct((n, 1), jnp.float32),
            jax.ShapeDtypeStruct((n, 1), jnp.float32),
            jax.ShapeDtypeStruct((1, n, f1), jnp.float32),
            jax.ShapeDtypeStruct((n, f1), jnp.float32),
        ],
    )(x, degs, corr, W1, S1w, S1b)


def _tc_combine(p, s, b, g, be, ndst, c_chunks, fc):
    n = ndst.shape[0]

    def body(p_ref, s_ref, b_ref, g_ref, be_ref, ndst_ref, h_ref):
        agg = p_ref[0, 0] + p_ref[0, 1]
        z = agg * ndst_ref[...] + b_ref[0]
        mu = jnp.mean(z, axis=0, keepdims=True)
        zc = z - mu
        var = jnp.mean(zc * zc, axis=0, keepdims=True)
        zn = zc * lax.rsqrt(var + 1e-5) * g_ref[0] + be_ref[0]
        h_ref[0] = jnp.maximum(zn + s_ref[0], 0.0)

    return pl.pallas_call(
        body,
        grid=(c_chunks,),
        in_specs=[
            pl.BlockSpec((1, 2, n, fc), lambda c: (c, 0, 0, 0)),
            pl.BlockSpec((1, n, fc), lambda c: (c, 0, 0)),
            pl.BlockSpec((1, 1, fc), lambda c: (c, 0, 0)),
            pl.BlockSpec((1, 1, fc), lambda c: (c, 0, 0)),
            pl.BlockSpec((1, 1, fc), lambda c: (c, 0, 0)),
            pl.BlockSpec((n, 1), lambda c: (0, 0)),
        ],
        out_specs=pl.BlockSpec((1, n, fc), lambda c: (c, 0, 0)),
        out_shape=jax.ShapeDtypeStruct((c_chunks, n, fc), jnp.float32),
    )(p, s, b.reshape(c_chunks, 1, fc), g.reshape(c_chunks, 1, fc),
      be.reshape(c_chunks, 1, fc), ndst)


def _tc_transform(h, W, Sw, Sb, nsrc, cin, fcin, cout, fcout):
    n = nsrc.shape[0]
    din = cin * fcin

    def body(h_ref, w_ref, sw_ref, sb_ref, nsrc_ref, msg_ref, s_ref):
        accm = jnp.zeros((n, fcout), jnp.float32)
        accs = jnp.zeros((n, fcout), jnp.float32)
        for ci in range(cin):
            hc = h_ref[ci]
            accm += jnp.dot(hc, w_ref[pl.ds(ci * fcin, fcin), :],
                            preferred_element_type=jnp.float32)
            accs += jnp.dot(hc, sw_ref[pl.ds(ci * fcin, fcin), :],
                            preferred_element_type=jnp.float32)
        msg_ref[0] = accm * nsrc_ref[...]
        s_ref[0] = accs + sb_ref[0]

    return pl.pallas_call(
        body,
        grid=(cout,),
        in_specs=[
            pl.BlockSpec((cin, n, fcin), lambda c: (0, 0, 0)),
            pl.BlockSpec((din, fcout), lambda c: (0, c)),
            pl.BlockSpec((din, fcout), lambda c: (0, c)),
            pl.BlockSpec((1, 1, fcout), lambda c: (c, 0, 0)),
            pl.BlockSpec((n, 1), lambda c: (0, 0)),
        ],
        out_specs=[
            pl.BlockSpec((1, n, fcout), lambda c: (c, 0, 0)),
            pl.BlockSpec((1, n, fcout), lambda c: (c, 0, 0)),
        ],
        out_shape=[
            jax.ShapeDtypeStruct((cout, n, fcout), jnp.float32),
            jax.ShapeDtypeStruct((cout, n, fcout), jnp.float32),
        ],
    )(h, W, Sw, Sb.reshape(cout, 1, fcout), nsrc)


def _tc_msg_only(h, W, nsrc, cin, fcin, cout, fcout):
    n = nsrc.shape[0]
    din = cin * fcin

    def body(h_ref, w_ref, nsrc_ref, msg_ref):
        accm = jnp.zeros((n, fcout), jnp.float32)
        for ci in range(cin):
            accm += jnp.dot(h_ref[ci], w_ref[pl.ds(ci * fcin, fcin), :],
                            preferred_element_type=jnp.float32)
        msg_ref[0] = accm * nsrc_ref[...]

    return pl.pallas_call(
        body,
        grid=(cout,),
        in_specs=[
            pl.BlockSpec((cin, n, fcin), lambda c: (0, 0, 0)),
            pl.BlockSpec((din, fcout), lambda c: (0, c)),
            pl.BlockSpec((n, 1), lambda c: (0, 0)),
        ],
        out_specs=pl.BlockSpec((1, n, fcout), lambda c: (c, 0, 0)),
        out_shape=jax.ShapeDtypeStruct((cout, n, fcout), jnp.float32),
    )(h, W, nsrc)


def _tc_heads(h4, A1w, A1b, A2w, A2b, C1w, C1b, C2w, C2b, cin, fcin):
    n = h4.shape[1]

    def body(h_ref, a1w_ref, a1b_ref, a2w_ref, a2b_ref, c1w_ref, c1b_ref,
             c2w_ref, c2b_ref, a_ref, c_ref):
        ta = jnp.zeros((n, 128), jnp.float32)
        tc = jnp.zeros((n, 128), jnp.float32)
        for ci in range(cin):
            hc = h_ref[ci]
            ta += jnp.dot(hc, a1w_ref[pl.ds(ci * fcin, fcin), :],
                          preferred_element_type=jnp.float32)
            tc += jnp.dot(hc, c1w_ref[pl.ds(ci * fcin, fcin), :],
                          preferred_element_type=jnp.float32)
        ta = jnp.maximum(ta + a1b_ref[...], 0.0)
        tc = jnp.maximum(tc + c1b_ref[...], 0.0)
        a_ref[...] = jnp.dot(ta, a2w_ref[...],
                             preferred_element_type=jnp.float32) + a2b_ref[...]
        c_ref[...] = jnp.dot(tc, c2w_ref[...],
                             preferred_element_type=jnp.float32) + c2b_ref[...]

    return pl.pallas_call(
        body,
        out_shape=[
            jax.ShapeDtypeStruct((n, 1), jnp.float32),
            jax.ShapeDtypeStruct((n, 1), jnp.float32),
        ],
    )(h4, A1w, A1b, A2w, A2b, C1w, C1b, C2w, C2b)


def kernel(x, edge_index, W1, b1, W2, b2, W3, b3, W4, b4,
           g1, be1, g2, be2, g3, be3, g4, be4,
           S1w, S1b, S2w, S2b, S3w, S3b,
           A1w, A1b, A2w, A2b, C1w, C1b, C2w, C2b):
    n, d = x.shape
    e = edge_index.shape[1]
    e_pad = _NC * _NS * _NBT * _B
    npad = e_pad - e
    ntile = _NC * _NS
    dpt = npad // ntile
    ept = e // ntile
    didx = jnp.arange(npad, dtype=jnp.int32)
    dsrc = (didx % n).reshape(ntile, dpt)
    ddst = (n + didx % _PAD).reshape(ntile, dpt)
    src_p = jnp.concatenate([edge_index[0].reshape(ntile, ept), dsrc],
                            axis=1).reshape(-1, _B)
    dst_p = jnp.concatenate([edge_index[1].reshape(ntile, ept), ddst],
                            axis=1).reshape(-1, _B)
    ps = src_p[:, 0::2] | (src_p[:, 1::2] << 16)
    pd = dst_p[:, 0::2] | (dst_p[:, 1::2] << 16)
    ei2 = jnp.concatenate([ps, pd], axis=1)
    ones_h = jnp.ones((128,), jnp.float32)
    zeros1 = jnp.zeros((_round256(n + _PAD),), jnp.float32)
    nid = jnp.arange(n, dtype=jnp.int32)
    corr = (float(npad // n)
            + (nid < (npad % n)).astype(jnp.float32)).reshape(n, 1)

    degs = _sc_degrees(ei2, ones_h, zeros1, n=n)
    degs = degs[:, :, :n].reshape(2, 2, n, 1)

    pad64 = ((0, 0), (0, 64))
    W1p = jnp.pad(W1, pad64)
    S1wp = jnp.pad(S1w, pad64)
    S1bp = jnp.pad(S1b, (0, 64))
    b1p = jnp.pad(b1, (0, 64))
    g1p = jnp.pad(g1, (0, 64))
    be1p = jnp.pad(be1, (0, 64))
    W2p = jnp.pad(W2, ((0, 64), (0, 0)))
    S2wp = jnp.pad(S2w, ((0, 64), (0, 0)))

    nsrc, ndst, msg1, s1 = _tc_norms_and_first(x, degs, corr, W1p, S1wp, S1bp)

    z128 = jnp.zeros((n // _NS, 128), jnp.float32)
    p1 = _sc_msgpass(msg1, ei2, z128, n=n, fc=128, c_chunks=1)
    h1 = _tc_combine(p1, s1.reshape(1, n, 128), b1p, g1p, be1p,
                     ndst, 1, 128)

    msg2, s2 = _tc_transform(h1, W2p, S2wp, S2b, nsrc, 1, 128, 2, 128)
    p2 = _sc_msgpass(msg2, ei2, z128, n=n, fc=128, c_chunks=2)
    h2 = _tc_combine(p2, s2, b2, g2, be2, ndst, 2, 128)

    msg3, s3 = _tc_transform(h2, W3, S3w, S3b, nsrc, 2, 128, 4, 128)
    p3 = _sc_msgpass(msg3, ei2, z128, n=n, fc=128, c_chunks=4)
    h3 = _tc_combine(p3, s3, b3, g3, be3, ndst, 4, 128)

    msg4 = _tc_msg_only(h3, W4, nsrc, 4, 128, 4, 128)
    p4 = _sc_msgpass(msg4, ei2, z128, n=n, fc=128, c_chunks=4)
    h4 = _tc_combine(p4, h3, b4, g4, be4, ndst, 4, 128)

    active, consume = _tc_heads(h4, A1w, A1b, A2w, A2b, C1w, C1b, C2w, C2b,
                                4, 128)
    return (active, consume)

# --- scband reference (transcript-rebuilt; emitter-appended) ---
"""Pipeline reference for scband-gcn-1-38036230373749 (READ-ONLY COPY).

The authoritative reference and input builder live on the scoring server;
editing this copy changes nothing except your own understanding.
"""

import jax, jax.numpy as jnp
import numpy as np

N = 10000
E = 320000
D = 128


def setup_inputs(seed: int = 0) -> dict:
    key = jax.random.key(seed)
    ks = jax.random.split(key, 40)
    def rn(k, shape, scale=0.05):
        return jax.random.normal(k, shape, dtype=jnp.float32) * scale
    inp = {}
    inp["x"] = jax.random.normal(ks[0], (N, D), dtype=jnp.float32)
    inp["edge_index"] = jax.random.randint(ks[1], (2, E), 0, N, dtype=jnp.int32)
    # GraphConv weights (stored as [in, out])
    inp["W1"] = rn(ks[2], (D, 64)); inp["b1"] = jnp.zeros((64,), jnp.float32)
    inp["W2"] = rn(ks[3], (64, 256)); inp["b2"] = jnp.zeros((256,), jnp.float32)
    inp["W3"] = rn(ks[4], (256, 512)); inp["b3"] = jnp.zeros((512,), jnp.float32)
    inp["W4"] = rn(ks[5], (512, 512)); inp["b4"] = jnp.zeros((512,), jnp.float32)
    # BatchNorm affine params
    inp["g1"] = jnp.ones((64,), jnp.float32); inp["be1"] = jnp.zeros((64,), jnp.float32)
    inp["g2"] = jnp.ones((256,), jnp.float32); inp["be2"] = jnp.zeros((256,), jnp.float32)
    inp["g3"] = jnp.ones((512,), jnp.float32); inp["be3"] = jnp.zeros((512,), jnp.float32)
    inp["g4"] = jnp.ones((512,), jnp.float32); inp["be4"] = jnp.zeros((512,), jnp.float32)
    # shortcut linears ([in, out] + bias)
    inp["S1w"] = rn(ks[6], (D, 64)); inp["S1b"] = jnp.zeros((64,), jnp.float32)
    inp["S2w"] = rn(ks[7], (64, 256)); inp["S2b"] = jnp.zeros((256,), jnp.float32)
    inp["S3w"] = rn(ks[8], (256, 512)); inp["S3b"] = jnp.zeros((512,), jnp.float32)
    # output heads
    inp["A1w"] = rn(ks[9], (512, 128)); inp["A1b"] = jnp.zeros((128,), jnp.float32)
    inp["A2w"] = rn(ks[10], (128, 1)); inp["A2b"] = jnp.zeros((1,), jnp.float32)
    inp["C1w"] = rn(ks[11], (512, 128)); inp["C1b"] = jnp.zeros((128,), jnp.float32)
    inp["C2w"] = rn(ks[12], (128, 1)); inp["C2b"] = jnp.zeros((1,), jnp.float32)
    return inp


def reference(x, edge_index, W1, b1, W2, b2, W3, b3, W4, b4,
              g1, be1, g2, be2, g3, be3, g4, be4,
              S1w, S1b, S2w, S2b, S3w, S3b,
              A1w, A1b, A2w, A2b, C1w, C1b, C2w, C2b):
    n = x.shape[0]
    self_loops = jnp.arange(n, dtype=edge_index.dtype)
    src = jnp.concatenate([edge_index[0], self_loops])
    dst = jnp.concatenate([edge_index[1], self_loops])
    deg_out = jax.ops.segment_sum(jnp.ones(src.shape[0], jnp.float32), src, num_segments=n)
    deg_in = jax.ops.segment_sum(jnp.ones(dst.shape[0], jnp.float32), dst, num_segments=n)
    norm_src = jax.lax.rsqrt(jnp.maximum(deg_out, 1.0))
    norm_dst = jax.lax.rsqrt(jnp.maximum(deg_in, 1.0))

    def conv(h, W, b):
        h = h @ W
        m = h[src] * norm_src[src][:, None]
        agg = jax.ops.segment_sum(m, dst, num_segments=n)
        return agg * norm_dst[:, None] + b

    def bn(h, g, b):
        mu = jnp.mean(h, axis=0)
        var = jnp.var(h, axis=0)
        return (h - mu) * jax.lax.rsqrt(var + 1e-5) * g + b

    x1 = jax.nn.relu(bn(conv(x, W1, b1), g1, be1) + x @ S1w + S1b)
    x2 = jax.nn.relu(bn(conv(x1, W2, b2), g2, be2) + x1 @ S2w + S2b)
    x3 = jax.nn.relu(bn(conv(x2, W3, b3), g3, be3) + x2 @ S3w + S3b)
    x4 = jax.nn.relu(bn(conv(x3, W4, b4), g4, be4) + x3)
    active = jax.nn.relu(x4 @ A1w + A1b) @ A2w + A2b
    consume = jax.nn.relu(x4 @ C1w + C1b) @ C2w + C2b
    return (active, consume)

if __name__ == "__main__":
    import jax
    _d = setup_inputs()
    print(jax.jit(kernel)(*tuple(_d.values())))

</pallas_src>

<mosaic_0001>
#map = affine_map<(d0, d1) -> (0, 0)>
#map1 = affine_map<(d0, d1) -> (0)>
#map2 = affine_map<(d0, d1) -> (0, 0, 0)>
module attributes {stable_mosaic.version = 14 : i64} {
  func.func @hist(%arg0: i32, %arg1: i32, %arg2: memref<2560x128xi32, #tpu.memory_space<hbm>>, %arg3: memref<128xf32, #tpu.memory_space<hbm>>, %arg4: memref<10752xf32, #tpu.memory_space<hbm>>, %arg5: memref<2x2x10752xf32, #tpu.memory_space<hbm>>, %arg6: memref<80x128xi32, #tpu.memory_space<vmem>>, %arg7: memref<2x128xi32, #tpu.memory_space<vmem>>, %arg8: memref<128xf32, #tpu.memory_space<vmem>>, %arg9: memref<10752xf32, #tpu.memory_space<vmem_shared>>, %arg10: memref<10752xf32, #tpu.memory_space<vmem_shared>>) attributes {dimension_semantics = [#tpu.dimension_semantics<core_parallel>, #tpu.dimension_semantics<subcore_parallel>], iteration_bounds = array<i64: 2, 16>, scalar_prefetch = 0 : i64, scratch_operands = 5 : i64, tpu.core_type = #tpu.core_type<sc_vector_subcore>, window_params = [{transform_indices = #map}, {transform_indices = #map1}, {transform_indices = #map1}, {transform_indices = #map2}]} {
    %mul3A = arith.constant 16 : i32
    %mul3A_0 = arith.muli %arg0, %mul3A : i32
    %add3A = arith.addi %mul3A_0, %arg1 : i32
    %mul3A_1 = arith.constant 80 : i32
    %mul3A_2 = arith.muli %add3A, %mul3A_1 : i32
    "tpu.region"() ({
      %run_scoped3A = tpu.sem_alloc : memref<!tpu.dma_semaphore, #tpu.memory_space<semaphore_mem>>
      %dma_start3A = arith.constant 0 : i32
      %dma_start3A_16 = tpu.memref_slice %arg2[%mul3A_2, %dma_start3A] : memref<2560x128xi32, #tpu.memory_space<hbm>> -> memref<80x128xi32, #tpu.memory_space<hbm>>
      %dma_start3A_17 = arith.constant 0 : i32
      %dma_start3A_18 = tpu.memref_slice %arg2[%mul3A_2, %dma_start3A_17] : memref<2560x128xi32, #tpu.memory_space<hbm>> -> memref<80x128xi32, #tpu.memory_space<hbm>>
      tpu.enqueue_dma source(%dma_start3A_18 : memref<80x128xi32, #tpu.memory_space<hbm>>) target(%arg6 : memref<80x128xi32, #tpu.memory_space<vmem>>) target_semaphore(%run_scoped3A : memref<!tpu.dma_semaphore, #tpu.memory_space<semaphore_mem>>)
      %dma_wait3A = arith.constant 0 : i32
      %dma_wait3A_19 = tpu.memref_slice %arg2[%mul3A_2, %dma_wait3A] : memref<2560x128xi32, #tpu.memory_space<hbm>> -> memref<80x128xi32, #tpu.memory_space<hbm>>
      %dma_wait3A_20 = arith.constant 0 : i32
      %dma_wait3A_21 = tpu.memref_slice %arg2[%mul3A_2, %dma_wait3A_20] : memref<2560x128xi32, #tpu.memory_space<hbm>> -> memref<80x128xi32, #tpu.memory_space<hbm>>
      tpu.wait_dma2 semaphore(%run_scoped3A : memref<!tpu.dma_semaphore, #tpu.memory_space<semaphore_mem>>) src(%dma_wait3A_21 : memref<80x128xi32, #tpu.memory_space<hbm>>) dst(%arg6 : memref<80x128xi32, #tpu.memory_space<vmem>>)
      tpu.yield
    }) : () -> ()
    "tpu.region"() ({
      %run_scoped3A = tpu.sem_alloc : memref<!tpu.dma_semaphore, #tpu.memory_space<semaphore_mem>>
      tpu.enqueue_dma source(%arg3 : memref<128xf32, #tpu.memory_space<hbm>>) target(%arg8 : memref<128xf32, #tpu.memory_space<vmem>>) target_semaphore(%run_scoped3A : memref<!tpu.dma_semaphore, #tpu.memory_space<semaphore_mem>>)
      tpu.wait_dma2 semaphore(%run_scoped3A : memref<!tpu.dma_semaphore, #tpu.memory_space<semaphore_mem>>) src(%arg3 : memref<128xf32, #tpu.memory_space<hbm>>) dst(%arg8 : memref<128xf32, #tpu.memory_space<vmem>>)
      tpu.yield
    }) : () -> ()
    %eq3A = arith.constant 0 : i32
    %eq3A_3 = arith.cmpi eq, %arg1, %eq3A : i32
    %convert_element_type3A = arith.extui %eq3A_3 : i1 to i32
    %cond3A = arith.constant 0 : i32
    %cond3A_4 = arith.cmpi ne, %convert_element_type3A, %cond3A : i32
    scf.if %cond3A_4 {
      "tpu.region"() ({
        %run_scoped3A = tpu.sem_alloc : memref<!tpu.dma_semaphore, #tpu.memory_space<semaphore_mem>>
        tpu.enqueue_dma source(%arg4 : memref<10752xf32, #tpu.memory_space<hbm>>) target(%arg9 : memref<10752xf32, #tpu.memory_space<vmem_shared>>) target_semaphore(%run_scoped3A : memref<!tpu.dma_semaphore, #tpu.memory_space<semaphore_mem>>)
        tpu.wait_dma2 semaphore(%run_scoped3A : memref<!tpu.dma_semaphore, #tpu.memory_space<semaphore_mem>>) src(%arg4 : memref<10752xf32, #tpu.memory_space<hbm>>) dst(%arg9 : memref<10752xf32, #tpu.memory_space<vmem_shared>>)
        tpu.yield
      }) : () -> ()
      "tpu.region"() ({
        %run_scoped3A = tpu.sem_alloc : memref<!tpu.dma_semaphore, #tpu.memory_space<semaphore_mem>>
        tpu.enqueue_dma source(%arg4 : memref<10752xf32, #tpu.memory_space<hbm>>) target(%arg10 : memref<10752xf32, #tpu.memory_space<vmem_shared>>) target_semaphore(%run_scoped3A : memref<!tpu.dma_semaphore, #tpu.memory_space<semaphore_mem>>)
        tpu.wait_dma2 semaphore(%run_scoped3A : memref<!tpu.dma_semaphore, #tpu.memory_space<semaphore_mem>>) src(%arg4 : memref<10752xf32, #tpu.memory_space<hbm>>) dst(%arg10 : memref<10752xf32, #tpu.memory_space<vmem_shared>>)
        tpu.yield
      }) : () -> ()
    } else {
    }
    %barrier3A = arith.constant 0 : index
    tpu.barrier barrier_id(%barrier3A)
    %scan3A = arith.constant 0 : i32
    %scan3A_5 = arith.constant 0 : i32
    %scan3A_6 = arith.constant 80 : i32
    %scan3A_7 = arith.addi %scan3A_5, %scan3A_6 : i32
    %scan3A_8 = arith.constant 1 : i32
    scf.for %scan3A_16 = %scan3A_5 to %scan3A_7 step %scan3A_8  : i32 {
      %get3A = arith.index_cast %scan3A_16 : i32 to index
      %get3A_17 = arith.constant 0 : index
      %get3A_18 = tpu.vector_load %arg6[%get3A, %get3A_17] {strides = array<i32>} : memref<80x128xi32, #tpu.memory_space<vmem>>, vector<1x16xi32>,
      %get3A_19 = vector.shape_cast %get3A_18 : vector<1x16xi32> to vector<16xi32>
      %and3A = arith.constant 65535 : i32
      %and3A_20 = vector.broadcast %and3A : i32 to vector<16xi32>
      %and3A_21 = arith.andi %get3A_19, %and3A_20 : vector<16xi32>
      %swap3A = arith.constant 0 : i32
      %swap3A_22 = arith.index_cast %swap3A : i32 to index
      %swap3A_23 = arith.constant 0 : index
      %swap3A_24 = tpu.vector_load %arg7[%swap3A_22, %swap3A_23] {strides = array<i32>} : memref<2x128xi32, #tpu.memory_space<vmem>>, vector<1x16xi32>,
      %swap3A_25 = vector.shape_cast %swap3A_24 : vector<1x16xi32> to vector<16xi32>
      %swap3A_26 = vector.shape_cast %and3A_21 : vector<16xi32> to vector<1x16xi32>
      tpu.vector_store %arg7[%swap3A_22, %swap3A_23], %swap3A_26 {strides = array<i32>} : memref<2x128xi32, #tpu.memory_space<vmem>>, vector<1x16xi32>,
      %shift_right_logical3A = arith.constant 16 : i32
      %shift_right_logical3A_27 = vector.broadcast %shift_right_logical3A : i32 to vector<16xi32>
      %shift_right_logical3A_28 = arith.shrui %get3A_19, %shift_right_logical3A_27 : vector<16xi32>
      %swap3A_29 = arith.constant 0 : i32
      %swap3A_30 = arith.index_cast %swap3A_29 : i32 to index
      %swap3A_31 = arith.constant 16 : index
      %swap3A_32 = tpu.vector_load %arg7[%swap3A_30, %swap3A_31] {strides = array<i32>} : memref<2x128xi32, #tpu.memory_space<vmem>>, vector<1x16xi32>,
      %swap3A_33 = vector.shape_cast %swap3A_32 : vector<1x16xi32> to vector<16xi32>
      %swap3A_34 = vector.shape_cast %shift_right_logical3A_28 : vector<16xi32> to vector<1x16xi32>
      tpu.vector_store %arg7[%swap3A_30, %swap3A_31], %swap3A_34 {strides = array<i32>} : memref<2x128xi32, #tpu.memory_space<vmem>>, vector<1x16xi32>,
      %get3A_35 = arith.index_cast %scan3A_16 : i32 to index
      %get3A_36 = arith.constant 16 : index
      %get3A_37 = tpu.vector_load %arg6[%get3A_35, %get3A_36] {strides = array<i32>} : memref<80x128xi32, #tpu.memory_space<vmem>>, vector<1x16xi32>,
      %get3A_38 = vector.shape_cast %get3A_37 : vector<1x16xi32> to vector<16xi32>
      %and3A_39 = arith.constant 65535 : i32
      %and3A_40 = vector.broadcast %and3A_39 : i32 to vector<16xi32>
      %and3A_41 = arith.andi %get3A_38, %and3A_40 : vector<16xi32>
      %swap3A_42 = arith.constant 0 : i32
      %swap3A_43 = arith.index_cast %swap3A_42 : i32 to index
      %swap3A_44 = arith.constant 32 : index
      %swap3A_45 = tpu.vector_load %arg7[%swap3A_43, %swap3A_44] {strides = array<i32>} : memref<2x128xi32, #tpu.memory_space<vmem>>, vector<1x16xi32>,
      %swap3A_46 = vector.shape_cast %swap3A_45 : vector<1x16xi32> to vector<16xi32>
      %swap3A_47 = vector.shape_cast %and3A_41 : vector<16xi32> to vector<1x16xi32>
      tpu.vector_store %arg7[%swap3A_43, %swap3A_44], %swap3A_47 {strides = array<i32>} : memref<2x128xi32, #tpu.memory_space<vmem>>, vector<1x16xi32>,
      %shift_right_logical3A_48 = arith.constant 16 : i32
      %shift_right_logical3A_49 = vector.broadcast %shift_right_logical3A_48 : i32 to vector<16xi32>
      %shift_right_logical3A_50 = arith.shrui %get3A_38, %shift_right_logical3A_49 : vector<16xi32>
      %swap3A_51 = arith.constant 0 : i32
      %swap3A_52 = arith.index_cast %swap3A_51 : i32 to index
      %swap3A_53 = arith.constant 48 : index
      %swap3A_54 = tpu.vector_load %arg7[%swap3A_52, %swap3A_53] {strides = array<i32>} : memref<2x128xi32, #tpu.memory_space<vmem>>, vector<1x16xi32>,
      %swap3A_55 = vector.shape_cast %swap3A_54 : vector<1x16xi32> to vector<16xi32>
      %swap3A_56 = vector.shape_cast %shift_right_logical3A_50 : vector<16xi32> to vector<1x16xi32>
      tpu.vector_store %arg7[%swap3A_52, %swap3A_53], %swap3A_56 {strides = array<i32>} : memref<2x128xi32, #tpu.memory_space<vmem>>, vector<1x16xi32>,
      %get3A_57 = arith.index_cast %scan3A_16 : i32 to index
      %get3A_58 = arith.constant 32 : index
      %get3A_59 = tpu.vector_load %arg6[%get3A_57, %get3A_58] {strides = array<i32>} : memref<80x128xi32, #tpu.memory_space<vmem>>, vector<1x16xi32>,
      %get3A_60 = vector.shape_cast %get3A_59 : vector<1x16xi32> to vector<16xi32>
      %and3A_61 = arith.constant 65535 : i32
      %and3A_62 = vector.broadcast %and3A_61 : i32 to vector<16xi32>
      %and3A_63 = arith.andi %get3A_60, %and3A_62 : vector<16xi32>
      %swap3A_64 = arith.constant 0 : i32
      %swap3A_65 = arith.index_cast %swap3A_64 : i32 to index
      %swap3A_66 = arith.constant 64 : index
      %swap3A_67 = tpu.vector_load %arg7[%swap3A_65, %swap3A_66] {strides = array<i32>} : memref<2x128xi32, #tpu.memory_space<vmem>>, vector<1x16xi32>,
      %swap3A_68 = vector.shape_cast %swap3A_67 : vector<1x16xi32> to vector<16xi32>
      %swap3A_69 = vector.shape_cast %and3A_63 : vector<16xi32> to vector<1x16xi32>
      tpu.vector_store %arg7[%swap3A_65, %swap3A_66], %swap3A_69 {strides = array<i32>} : memref<2x128xi32, #tpu.memory_space<vmem>>, vector<1x16xi32>,
      %shift_right_logical3A_70 = arith.constant 16 : i32
      %shift_right_logical3A_71 = vector.broadcast %shift_right_logical3A_70 : i32 to vector<16xi32>
      %shift_right_logical3A_72 = arith.shrui %get3A_60, %shift_right_logical3A_71 : vector<16xi32>
      %swap3A_73 = arith.constant 0 : i32
      %swap3A_74 = arith.index_cast %swap3A_73 : i32 to index
      %swap3A_75 = arith.constant 80 : index
      %swap3A_76 = tpu.vector_load %arg7[%swap3A_74, %swap3A_75] {strides = array<i32>} : memref<2x128xi32, #tpu.memory_space<vmem>>, vector<1x16xi32>,
      %swap3A_77 = vector.shape_cast %swap3A_76 : vector<1x16xi32> to vector<16xi32>
      %swap3A_78 = vector.shape_cast %shift_right_logical3A_72 : vector<16xi32> to vector<1x16xi32>
      tpu.vector_store %arg7[%swap3A_74, %swap3A_75], %swap3A_78 {strides = array<i32>} : memref<2x128xi32, #tpu.memory_space<vmem>>, vector<1x16xi32>,
      %get3A_79 = arith.index_cast %scan3A_16 : i32 to index
      %get3A_80 = arith.constant 48 : index
      %get3A_81 = tpu.vector_load %arg6[%get3A_79, %get3A_80] {strides = array<i32>} : memref<80x128xi32, #tpu.memory_space<vmem>>, vector<1x16xi32>,
      %get3A_82 = vector.shape_cast %get3A_81 : vector<1x16xi32> to vector<16xi32>
      %and3A_83 = arith.constant 65535 : i32
      %and3A_84 = vector.broadcast %and3A_83 : i32 to vector<16xi32>
      %and3A_85 = arith.andi %get3A_82, %and3A_84 : vector<16xi32>
      %swap3A_86 = arith.constant 0 : i32
      %swap3A_87 = arith.index_cast %swap3A_86 : i32 to index
      %swap3A_88 = arith.constant 96 : index
      %swap3A_89 = tpu.vector_load %arg7[%swap3A_87, %swap3A_88] {strides = array<i32>} : memref<2x128xi32, #tpu.memory_space<vmem>>, vector<1x16xi32>,
      %swap3A_90 = vector.shape_cast %swap3A_89 : vector<1x16xi32> to vector<16xi32>
      %swap3A_91 = vector.shape_cast %and3A_85 : vector<16xi32> to vector<1x16xi32>
      tpu.vector_store %arg7[%swap3A_87, %swap3A_88], %swap3A_91 {strides = array<i32>} : memref<2x128xi32, #tpu.memory_space<vmem>>, vector<1x16xi32>,
      %shift_right_logical3A_92 = arith.constant 16 : i32
      %shift_right_logical3A_93 = vector.broadcast %shift_right_logical3A_92 : i32 to vector<16xi32>
      %shift_right_logical3A_94 = arith.shrui %get3A_82, %shift_right_logical3A_93 : vector<16xi32>
      %swap3A_95 = arith.constant 0 : i32
      %swap3A_96 = arith.index_cast %swap3A_95 : i32 to index
      %swap3A_97 = arith.constant 112 : index
      %swap3A_98 = tpu.vector_load %arg7[%swap3A_96, %swap3A_97] {strides = array<i32>} : memref<2x128xi32, #tpu.memory_space<vmem>>, vector<1x16xi32>,
      %swap3A_99 = vector.shape_cast %swap3A_98 : vector<1x16xi32> to vector<16xi32>
      %swap3A_100 = vector.shape_cast %shift_right_logical3A_94 : vector<16xi32> to vector<1x16xi32>
      tpu.vector_store %arg7[%swap3A_96, %swap3A_97], %swap3A_100 {strides = array<i32>} : memref<2x128xi32, #tpu.memory_space<vmem>>, vector<1x16xi32>,
      %get3A_101 = arith.index_cast %scan3A_16 : i32 to index
      %get3A_102 = arith.constant 64 : index
      %get3A_103 = tpu.vector_load %arg6[%get3A_101, %get3A_102] {strides = array<i32>} : memref<80x128xi32, #tpu.memory_space<vmem>>, vector<1x16xi32>,
      %get3A_104 = vector.shape_cast %get3A_103 : vector<1x16xi32> to vector<16xi32>
      %and3A_105 = arith.constant 65535 : i32
      %and3A_106 = vector.broadcast %and3A_105 : i32 to vector<16xi32>
      %and3A_107 = arith.andi %get3A_104, %and3A_106 : vector<16xi32>
      %swap3A_108 = arith.constant 1 : i32
      %swap3A_109 = arith.index_cast %swap3A_108 : i32 to index
      %swap3A_110 = arith.constant 0 : index
      %swap3A_111 = tpu.vector_load %arg7[%swap3A_109, %swap3A_110] {strides = array<i32>} : memref<2x128xi32, #tpu.memory_space<vmem>>, vector<1x16xi32>,
      %swap3A_112 = vector.shape_cast %swap3A_111 : vector<1x16xi32> to vector<16xi32>
      %swap3A_113 = vector.shape_cast %and3A_107 : vector<16xi32> to vector<1x16xi32>
      tpu.vector_store %arg7[%swap3A_109, %swap3A_110], %swap3A_113 {strides = array<i32>} : memref<2x128xi32, #tpu.memory_space<vmem>>, vector<1x16xi32>,
      %shift_right_logical3A_114 = arith.constant 16 : i32
      %shift_right_logical3A_115 = vector.broadcast %shift_right_logical3A_114 : i32 to vector<16xi32>
      %shift_right_logical3A_116 = arith.shrui %get3A_104, %shift_right_logical3A_115 : vector<16xi32>
      %swap3A_117 = arith.constant 1 : i32
      %swap3A_118 = arith.index_cast %swap3A_117 : i32 to index
      %swap3A_119 = arith.constant 16 : index
      %swap3A_120 = tpu.vector_load %arg7[%swap3A_118, %swap3A_119] {strides = array<i32>} : memref<2x128xi32, #tpu.memory_space<vmem>>, vector<1x16xi32>,
      %swap3A_121 = vector.shape_cast %swap3A_120 : vector<1x16xi32> to vector<16xi32>
      %swap3A_122 = vector.shape_cast %shift_right_logical3A_116 : vector<16xi32> to vector<1x16xi32>
      tpu.vector_store %arg7[%swap3A_118, %swap3A_119], %swap3A_122 {strides = array<i32>} : memref<2x128xi32, #tpu.memory_space<vmem>>, vector<1x16xi32>,
      %get3A_123 = arith.index_cast %scan3A_16 : i32 to index
      %get3A_124 = arith.constant 80 : index
      %get3A_125 = tpu.vector_load %arg6[%get3A_123, %get3A_124] {strides = array<i32>} : memref<80x128xi32, #tpu.memory_space<vmem>>, vector<1x16xi32>,
      %get3A_126 = vector.shape_cast %get3A_125 : vector<1x16xi32> to vector<16xi32>
      %and3A_127 = arith.constant 65535 : i32
      %and3A_128 = vector.broadcast %and3A_127 : i32 to vector<16xi32>
      %and3A_129 = arith.andi %get3A_126, %and3A_128 : vector<16xi32>
      %swap3A_130 = arith.constant 1 : i32
      %swap3A_131 = arith.index_cast %swap3A_130 : i32 to index
      %swap3A_132 = arith.constant 32 : index
      %swap3A_133 = tpu.vector_load %arg7[%swap3A_131, %swap3A_132] {strides = array<i32>} : memref<2x128xi32, #tpu.memory_space<vmem>>, vector<1x16xi32>,
      %swap3A_134 = vector.shape_cast %swap3A_133 : vector<1x16xi32> to vector<16xi32>
      %swap3A_135 = vector.shape_cast %and3A_129 : vector<16xi32> to vector<1x16xi32>
      tpu.vector_store %arg7[%swap3A_131, %swap3A_132], %swap3A_135 {strides = array<i32>} : memref<2x128xi32, #tpu.memory_space<vmem>>, vector<1x16xi32>,
      %shift_right_logical3A_136 = arith.constant 16 : i32
      %shift_right_logical3A_137 = vector.broadcast %shift_right_logical3A_136 : i32 to vector<16xi32>
      %shift_right_logical3A_138 = arith.shrui %get3A_126, %shift_right_logical3A_137 : vector<16xi32>
      %swap3A_139 = arith.constant 1 : i32
      %swap3A_140 = arith.index_cast %swap3A_139 : i32 to index
      %swap3A_141 = arith.constant 48 : index
      %swap3A_142 = tpu.vector_load %arg7[%swap3A_140, %swap3A_141] {strides = array<i32>} : memref<2x128xi32, #tpu.memory_space<vmem>>, vector<1x16xi32>,
      %swap3A_143 = vector.shape_cast %swap3A_142 : vector<1x16xi32> to vector<16xi32>
      %swap3A_144 = vector.shape_cast %shift_right_logical3A_138 : vector<16xi32> to vector<1x16xi32>
      tpu.vector_store %arg7[%swap3A_140, %swap3A_141], %swap3A_144 {strides = array<i32>} : memref<2x128xi32, #tpu.memory_space<vmem>>, vector<1x16xi32>,
      %get3A_145 = arith.index_cast %scan3A_16 : i32 to index
      %get3A_146 = arith.constant 96 : index
      %get3A_147 = tpu.vector_load %arg6[%get3A_145, %get3A_146] {strides = array<i32>} : memref<80x128xi32, #tpu.memory_space<vmem>>, vector<1x16xi32>,
      %get3A_148 = vector.shape_cast %get3A_147 : vector<1x16xi32> to vector<16xi32>
      %and3A_149 = arith.constant 65535 : i32
      %and3A_150 = vector.broadcast %and3A_149 : i32 to vector<16xi32>
      %and3A_151 = arith.andi %get3A_148, %and3A_150 : vector<16xi32>
      %swap3A_152 = arith.constant 1 : i32
      %swap3A_153 = arith.index_cast %swap3A_152 : i32 to index
      %swap3A_154 = arith.constant 64 : index
      %swap3A_155 = tpu.vector_load %arg7[%swap3A_153, %swap3A_154] {strides = array<i32>} : memref<2x128xi32, #tpu.memory_space<vmem>>, vector<1x16xi32>,
      %swap3A_156 = vector.shape_cast %swap3A_155 : vector<1x16xi32> to vector<16xi32>
      %swap3A_157 = vector.shape_cast %and3A_151 : vector<16xi32> to vector<1x16xi32>
      tpu.vector_store %arg7[%swap3A_153, %swap3A_154], %swap3A_157 {strides = array<i32>} : memref<2x128xi32, #tpu.memory_space<vmem>>, vector<1x16xi32>,
      %shift_right_logical3A_158 = arith.constant 16 : i32
      %shift_right_logical3A_159 = vector.broadcast %shift_right_logical3A_158 : i32 to vector<16xi32>
      %shift_right_logical3A_160 = arith.shrui %get3A_148, %shift_right_logical3A_159 : vector<16xi32>
      %swap3A_161 = arith.constant 1 : i32
      %swap3A_162 = arith.index_cast %swap3A_161 : i32 to index
      %swap3A_163 = arith.constant 80 : index
      %swap3A_164 = tpu.vector_load %arg7[%swap3A_162, %swap3A_163] {strides = array<i32>} : memref<2x128xi32, #tpu.memory_space<vmem>>, vector<1x16xi32>,
      %swap3A_165 = vector.shape_cast %swap3A_164 : vector<1x16xi32> to vector<16xi32>
      %swap3A_166 = vector.shape_cast %shift_right_logical3A_160 : vector<16xi32> to vector<1x16xi32>
      tpu.vector_store %arg7[%swap3A_162, %swap3A_163], %swap3A_166 {strides = array<i32>} : memref<2x128xi32, #tpu.memory_space<vmem>>, vector<1x16xi32>,
      %get3A_167 = arith.index_cast %scan3A_16 : i32 to index
      %get3A_168 = arith.constant 112 : index
      %get3A_169 = tpu.vector_load %arg6[%get3A_167, %get3A_168] {strides = array<i32>} : memref<80x128xi32, #tpu.memory_space<vmem>>, vector<1x16xi32>,
      %get3A_170 = vector.shape_cast %get3A_169 : vector<1x16xi32> to vector<16xi32>
      %and3A_171 = arith.constant 65535 : i32
      %and3A_172 = vector.broadcast %and3A_171 : i32 to vector<16xi32>
      %and3A_173 = arith.andi %get3A_170, %and3A_172 : vector<16xi32>
      %swap3A_174 = arith.constant 1 : i32
      %swap3A_175 = arith.index_cast %swap3A_174 : i32 to index
      %swap3A_176 = arith.constant 96 : index
      %swap3A_177 = tpu.vector_load %arg7[%swap3A_175, %swap3A_176] {strides = array<i32>} : memref<2x128xi32, #tpu.memory_space<vmem>>, vector<1x16xi32>,
      %swap3A_178 = vector.shape_cast %swap3A_177 : vector<1x16xi32> to vector<16xi32>
      %swap3A_179 = vector.shape_cast %and3A_173 : vector<16xi32> to vector<1x16xi32>
      tpu.vector_store %arg7[%swap3A_175, %swap3A_176], %swap3A_179 {strides = array<i32>} : memref<2x128xi32, #tpu.memory_space<vmem>>, vector<1x16xi32>,
      %shift_right_logical3A_180 = arith.constant 16 : i32
      %shift_right_logical3A_181 = vector.broadcast %shift_right_logical3A_180 : i32 to vector<16xi32>
      %shift_right_logical3A_182 = arith.shrui %get3A_170, %shift_right_logical3A_181 : vector<16xi32>
      %swap3A_183 = arith.constant 1 : i32
      %swap3A_184 = arith.index_cast %swap3A_183 : i32 to index
      %swap3A_185 = arith.constant 112 : index
      %swap3A_186 = tpu.vector_load %arg7[%swap3A_184, %swap3A_185] {strides = array<i32>} : memref<2x128xi32, #tpu.memory_space<vmem>>, vector<1x16xi32>,
      %swap3A_187 = vector.shape_cast %swap3A_186 : vector<1x16xi32> to vector<16xi32>
      %swap3A_188 = vector.shape_cast %shift_right_logical3A_182 : vector<16xi32> to vector<1x16xi32>
      tpu.vector_store %arg7[%swap3A_184, %swap3A_185], %swap3A_188 {strides = array<i32>} : memref<2x128xi32, #tpu.memory_space<vmem>>, vector<1x16xi32>,
      %run_scoped3A = arith.constant 0 : i32
      "tpu.region"() ({
        %run_scoped3A_190 = tpu.sem_alloc : memref<!tpu.dma_semaphore, #tpu.memory_space<semaphore_mem>>
        %dma_start3A = arith.constant 0 : i32
        %dma_start3A_191 = tpu.memref_slice %arg7[%run_scoped3A, %dma_start3A] : memref<2x128xi32, #tpu.memory_space<vmem>> -> memref<1x128xi32, #tpu.memory_space<vmem>>
        %dma_start3A_192 = tpu.memref_squeeze %dma_start3A_191 : memref<1x128xi32, #tpu.memory_space<vmem>> -> memref<128xi32, #tpu.memory_space<vmem>>
        %dma_start3A_193 = arith.constant 0 : i32
        %dma_start3A_194 = tpu.memref_slice %arg9[%dma_start3A_193] : memref<10752xf32, #tpu.memory_space<vmem_shared>> -> memref<10752xf32, #tpu.memory_space<vmem_shared>>
        tpu.enqueue_indirect_dma source(%arg8 : memref<128xf32, #tpu.memory_space<vmem>>) target(%dma_start3A_194 : memref<10752xf32, #tpu.memory_space<vmem_shared>>) offsets(%dma_start3A_192 : memref<128xi32, #tpu.memory_space<vmem>>) semaphore(%run_scoped3A_190 : memref<!tpu.dma_semaphore, #tpu.memory_space<semaphore_mem>>) {add = true}
        %dma_wait3A = arith.constant 0 : i32
        %dma_wait3A_195 = tpu.memref_slice %arg7[%run_scoped3A, %dma_wait3A] : memref<2x128xi32, #tpu.memory_space<vmem>> -> memref<1x128xi32, #tpu.memory_space<vmem>>
        %dma_wait3A_196 = tpu.memref_squeeze %dma_wait3A_195 : memref<1x128xi32, #tpu.memory_space<vmem>> -> memref<128xi32, #tpu.memory_space<vmem>>
        %dma_wait3A_197 = arith.constant 0 : i32
        %dma_wait3A_198 = tpu.memref_slice %arg9[%dma_wait3A_197] : memref<10752xf32, #tpu.memory_space<vmem_shared>> -> memref<10752xf32, #tpu.memory_space<vmem_shared>>
        tpu.wait_indirect_dma semaphore(%run_scoped3A_190 : memref<!tpu.dma_semaphore, #tpu.memory_space<semaphore_mem>>) src(%arg8 : memref<128xf32, #tpu.memory_space<vmem>>) dst(%dma_wait3A_198 : memref<10752xf32, #tpu.memory_space<vmem_shared>>)
        tpu.yield
      }) : () -> ()
      %run_scoped3A_189 = arith.constant 1 : i32
      "tpu.region"() ({
        %run_scoped3A_190 = tpu.sem_alloc : memref<!tpu.dma_semaphore, #tpu.memory_space<semaphore_mem>>
        %dma_start3A = arith.constant 0 : i32
        %dma_start3A_191 = tpu.memref_slice %arg7[%run_scoped3A_189, %dma_start3A] : memref<2x128xi32, #tpu.memory_space<vmem>> -> memref<1x128xi32, #tpu.memory_space<vmem>>
        %dma_start3A_192 = tpu.memref_squeeze %dma_start3A_191 : memref<1x128xi32, #tpu.memory_space<vmem>> -> memref<128xi32, #tpu.memory_space<vmem>>
        %dma_start3A_193 = arith.constant 0 : i32
        %dma_start3A_194 = tpu.memref_slice %arg10[%dma_start3A_193] : memref<10752xf32, #tpu.memory_space<vmem_shared>> -> memref<10752xf32, #tpu.memory_space<vmem_shared>>
        tpu.enqueue_indirect_dma source(%arg8 : memref<128xf32, #tpu.memory_space<vmem>>) target(%dma_start3A_194 : memref<10752xf32, #tpu.memory_space<vmem_shared>>) offsets(%dma_start3A_192 : memref<128xi32, #tpu.memory_space<vmem>>) semaphore(%run_scoped3A_190 : memref<!tpu.dma_semaphore, #tpu.memory_space<semaphore_mem>>) {add = true}
        %dma_wait3A = arith.constant 0 : i32
        %dma_wait3A_195 = tpu.memref_slice %arg7[%run_scoped3A_189, %dma_wait3A] : memref<2x128xi32, #tpu.memory_space<vmem>> -> memref<1x128xi32, #tpu.memory_space<vmem>>
        %dma_wait3A_196 = tpu.memref_squeeze %dma_wait3A_195 : memref<1x128xi32, #tpu.memory_space<vmem>> -> memref<128xi32, #tpu.memory_space<vmem>>
        %dma_wait3A_197 = arith.constant 0 : i32
        %dma_wait3A_198 = tpu.memref_slice %arg10[%dma_wait3A_197] : memref<10752xf32, #tpu.memory_space<vmem_shared>> -> memref<10752xf32, #tpu.memory_space<vmem_shared>>
        tpu.wait_indirect_dma semaphore(%run_scoped3A_190 : memref<!tpu.dma_semaphore, #tpu.memory_space<semaphore_mem>>) src(%arg8 : memref<128xf32, #tpu.memory_space<vmem>>) dst(%dma_wait3A_198 : memref<10752xf32, #tpu.memory_space<vmem_shared>>)
        tpu.yield
      }) : () -> ()
    }
    %scan3A_9 = arith.constant 80 : i32
    %barrier3A_10 = arith.constant 0 : index
    tpu.barrier barrier_id(%barrier3A_10)
    %eq3A_11 = arith.constant 0 : i32
    %eq3A_12 = arith.cmpi eq, %arg1, %eq3A_11 : i32
    %convert_element_type3A_13 = arith.extui %eq3A_12 : i1 to i32
    %cond3A_14 = arith.constant 0 : i32
    %cond3A_15 = arith.cmpi ne, %convert_element_type3A_13, %cond3A_14 : i32
    scf.if %cond3A_15 {
      %run_scoped3A = arith.constant 0 : i32
      "tpu.region"() ({
        %run_scoped3A_17 = tpu.sem_alloc : memref<!tpu.dma_semaphore, #tpu.memory_space<semaphore_mem>>
        %dma_start3A = arith.constant 0 : i32
        %dma_start3A_18 = arith.constant 0 : i32
        %dma_start3A_19 = tpu.memref_slice %arg5[%run_scoped3A, %dma_start3A, %dma_start3A_18] : memref<2x2x10752xf32, #tpu.memory_space<hbm>> -> memref<1x2x10752xf32, #tpu.memory_space<hbm>>
        %dma_start3A_20 = tpu.memref_squeeze %dma_start3A_19 : memref<1x2x10752xf32, #tpu.memory_space<hbm>> -> memref<2x10752xf32, #tpu.memory_space<hbm>>
        %dma_start3A_21 = arith.constant 0 : i32
        %dma_start3A_22 = tpu.memref_slice %dma_start3A_20[%arg0, %dma_start3A_21] : memref<2x10752xf32, #tpu.memory_space<hbm>> -> memref<1x10752xf32, #tpu.memory_space<hbm>>
        %dma_start3A_23 = tpu.memref_squeeze %dma_start3A_22 : memref<1x10752xf32, #tpu.memory_space<hbm>> -> memref<10752xf32, #tpu.memory_space<hbm>>
        tpu.enqueue_dma source(%arg9 : memref<10752xf32, #tpu.memory_space<vmem_shared>>) target(%dma_start3A_23 : memref<10752xf32, #tpu.memory_space<hbm>>) target_semaphore(%run_scoped3A_17 : memref<!tpu.dma_semaphore, #tpu.memory_space<semaphore_mem>>)
        %dma_wait3A = arith.constant 0 : i32
        %dma_wait3A_24 = arith.constant 0 : i32
        %dma_wait3A_25 = tpu.memref_slice %arg5[%run_scoped3A, %dma_wait3A, %dma_wait3A_24] : memref<2x2x10752xf32, #tpu.memory_space<hbm>> -> memref<1x2x10752xf32, #tpu.memory_space<hbm>>
        %dma_wait3A_26 = tpu.memref_squeeze %dma_wait3A_25 : memref<1x2x10752xf32, #tpu.memory_space<hbm>> -> memref<2x10752xf32, #tpu.memory_space<hbm>>
        %dma_wait3A_27 = arith.constant 0 : i32
        %dma_wait3A_28 = tpu.memref_slice %dma_wait3A_26[%arg0, %dma_wait3A_27] : memref<2x10752xf32, #tpu.memory_space<hbm>> -> memref<1x10752xf32, #tpu.memory_space<hbm>>
        %dma_wait3A_29 = tpu.memref_squeeze %dma_wait3A_28 : memref<1x10752xf32, #tpu.memory_space<hbm>> -> memref<10752xf32, #tpu.memory_space<hbm>>
        tpu.wait_dma2 semaphore(%run_scoped3A_17 : memref<!tpu.dma_semaphore, #tpu.memory_space<semaphore_mem>>) src(%arg9 : memref<10752xf32, #tpu.memory_space<vmem_shared>>) dst(%dma_wait3A_29 : memref<10752xf32, #tpu.memory_space<hbm>>)
        tpu.yield
      }) : () -> ()
      %run_scoped3A_16 = arith.constant 1 : i32
      "tpu.region"() ({
        %run_scoped3A_17 = tpu.sem_alloc : memref<!tpu.dma_semaphore, #tpu.memory_space<semaphore_mem>>
        %dma_start3A = arith.constant 0 : i32
        %dma_start3A_18 = arith.constant 0 : i32
        %dma_start3A_19 = tpu.memref_slice %arg5[%run_scoped3A_16, %dma_start3A, %dma_start3A_18] : memref<2x2x10752xf32, #tpu.memory_space<hbm>> -> memref<1x2x10752xf32, #tpu.memory_space<hbm>>
        %dma_start3A_20 = tpu.memref_squeeze %dma_start3A_19 : memref<1x2x10752xf32, #tpu.memory_space<hbm>> -> memref<2x10752xf32, #tpu.memory_space<hbm>>
        %dma_start3A_21 = arith.constant 0 : i32
        %dma_start3A_22 = tpu.memref_slice %dma_start3A_20[%arg0, %dma_start3A_21] : memref<2x10752xf32, #tpu.memory_space<hbm>> -> memref<1x10752xf32, #tpu.memory_space<hbm>>
        %dma_start3A_23 = tpu.memref_squeeze %dma_start3A_22 : memref<1x10752xf32, #tpu.memory_space<hbm>> -> memref<10752xf32, #tpu.memory_space<hbm>>
        tpu.enqueue_dma source(%arg10 : memref<10752xf32, #tpu.memory_space<vmem_shared>>) target(%dma_start3A_23 : memref<10752xf32, #tpu.memory_space<hbm>>) target_semaphore(%run_scoped3A_17 : memref<!tpu.dma_semaphore, #tpu.memory_space<semaphore_mem>>)
        %dma_wait3A = arith.constant 0 : i32
        %dma_wait3A_24 = arith.constant 0 : i32
        %dma_wait3A_25 = tpu.memref_slice %arg5[%run_scoped3A_16, %dma_wait3A, %dma_wait3A_24] : memref<2x2x10752xf32, #tpu.memory_space<hbm>> -> memref<1x2x10752xf32, #tpu.memory_space<hbm>>
        %dma_wait3A_26 = tpu.memref_squeeze %dma_wait3A_25 : memref<1x2x10752xf32, #tpu.memory_space<hbm>> -> memref<2x10752xf32, #tpu.memory_space<hbm>>
        %dma_wait3A_27 = arith.constant 0 : i32
        %dma_wait3A_28 = tpu.memref_slice %dma_wait3A_26[%arg0, %dma_wait3A_27] : memref<2x10752xf32, #tpu.memory_space<hbm>> -> memref<1x10752xf32, #tpu.memory_space<hbm>>
        %dma_wait3A_29 = tpu.memref_squeeze %dma_wait3A_28 : memref<1x10752xf32, #tpu.memory_space<hbm>> -> memref<10752xf32, #tpu.memory_space<hbm>>
        tpu.wait_dma2 semaphore(%run_scoped3A_17 : memref<!tpu.dma_semaphore, #tpu.memory_space<semaphore_mem>>) src(%arg10 : memref<10752xf32, #tpu.memory_space<vmem_shared>>) dst(%dma_wait3A_29 : memref<10752xf32, #tpu.memory_space<hbm>>)
        tpu.yield
      }) : () -> ()
    } else {
    }
    return
  }
}

</mosaic_0001>

<sc_bundles>
// kernel: _sc_degrees.3.cloned.1.call-start
scs
__scs_entry_jumppad:
0x0: {  	(pc) =	sbr.rel $0x88, $3  }
0x1: {  	(tag) =	ssettag $0x0;
	lr =	simm.s32 $0x1  }
0x2: {  	[smem:$0x3F9E] =	sst lr;
	_ =	strace $0xD0000000  }
0x3: {  	_ = 	snop  }
0x4: {  	_ = 	snop  }
0x5: {  	_ = 	snop  }
0x6: {  	_ = 	snop  }
0x7: {  	_ = 	snop  }
__scs_overlays_trampoline_lowered:
0x8: {  	[smem:$0x3FAD] =	sst s0  }
0x9: {  	[smem:$0x3FAE] =	sst s1  }
0xa: {  	[smem:$0x3FAF] =	sst s2  }
0xb: {  	[smem:$0x3FB0] =	sst s3  }
0xc: {  	[smem:$0x3FB1] =	sst s4  }
0xd: {  	[smem:$0x3FB2] =	sst s5  }
0xe: {  	[smem:$0x3FB3] =	sst s6  }
0xf: {  	[smem:$0x3FB4] =	sst s7  }
0x10: {  	[smem:$0x3FB5] =	sst s8  }
0x11: {  	[smem:$0x3FB6] =	sst s9;
	s0 =	simm.s32 @!p0 $0x0  }
0x12: {  	s1 =	sld [smem:$0x3F9C];
	s0 =	simm.s32 @p0 $0x1  }
0x13: {  	[smem:$0x3FB7] =	sst s0;
	s0 =	simm.s32 @!p1 $0x0  }
0x14: {  	s2 =	sld [smem:$0x3F9B];
	s0 =	simm.s32 @p1 $0x1  }
0x15: {  	[smem:$0x3FB8] =	sst s0;
	s0 =	simm.s32 @!p2 $0x0  }
0x16: {  	s3 =	sld [smem:$0x3FDB];
	s0 =	simm.s32 @p2 $0x1  }
0x17: {  	s4 =	simm.s32 $0x1BF5;
	[smem:$0x3FBA] =	sst s0  }
0x18: {  	s0 =	sld [smem:$0x3F9D];
	_ =	swait.ge [sflag:s4], $0x0  }
0x19: {  	s7 =	sld [smem:$0x3F9E]  }
0x1a: {  	s8 =	sadd.s32 $0xFFFFE003, lr  }
0x1b: {  	s9 =	sadd.s32 $0xFFFFFEF7, lr;
	s5 =	simm.s32 $0xFFFFFFFF;
	p2 =	slt.u32 s8, $0xFFFFF086  }
0x1c: {  	p1 =	slt.u32 s9, $0xF7A;
	s5 =	simm.s32 @!p2 $0x0  }
0x1d: {  	s5 =	simm.s32 @p1 $0x1;
	p0 =	seq.s32 s7, s2  }
0x1e: {  	s7 =	smul.u32 @!p0 $0xF7A, s2;
	p2 =	seq.s32 @!p0 s5, $0x0  }
0x1f: {  	s9 =	smul.u32 $0xF7A, s1;
	s8 =	simm.s32 @!p0 $0x1BF5;
	p2 =	por !p2, p0  }
0x20: {  	[sflag:s8] =	ssyncset.s32 @!p0 $0xFFFFF086;
	s6 =	sadd.s32 @!p0 s3, s7;
	s7 =	simm.s32 @!p0 $0x108  }
0x21: {  	s3 =	sadd.s32 s3, s9;
	s6 =	sadd.s32 @!p0 $0x88, s6;
	s7 =	simm.s32 @p2 $0x1082  }
0x22: {  	[simem:s7], [sflag:s8] =	dma.local @!p0 [hbm:s6], $0xF7A  }
0x23: {  	s9 =	sor.u32 $0xD0000000, s2;
	s6 =	simm.s32 $0x108;
	_ =	swait.ge @!p0 [sflag:s8], $0x0  }
0x24: {  	s3 =	sadd.s32 $0x88, s3;
	s6 =	simm.s32 @!p1 $0x1082;
	[sflag:s4] =	ssyncset.s32 $0xFFFFF086  }
0x25: {  	[simem:s6], [sflag:s4] =	dma.local [hbm:s3], $0xF7A  }
0x26: {  	[smem:$0x3F9E] =	sst s1;
	(tag) =	ssettag s2;
	_ =	strace s9  }
0x27: {  	s1 =	sld [smem:$0x3FAE]  }
0x28: {  	s2 =	sld [smem:$0x3FAF]  }
0x29: {  	s4 =	sld [smem:$0x3FB1]  }
0x2a: {  	p0 =	seq.s32 s5, $0x0;
	s5 =	sld [smem:$0x3FB2]  }
0x2b: {  	s6 =	sld [smem:$0x3FB3]  }
0x2c: {  	s7 =	sld [smem:$0x3FB4]  }
0x2d: {  	s3 =	simm.s32 $0x108;
	s8 =	sld [smem:$0x3FB5]  }
0x2e: {  	s3 =	simm.s32 @!p0 $0x1082;
	s9 =	sld [smem:$0x3FB6]  }
0x2f: {  	lr =	sadd.s32 s0, s3;
	s0 =	sld [smem:$0x3FAD]  }
0x30: {  	s3 =	sld [smem:$0x3FB0]  }
0x31: {  	[smem:$0x3FB9] =	sst s10  }
0x32: {  	s10 =	sld [smem:$0x3FB7];
	_ =	sdelay $0x3  }
0x33: {  	p0 =	seq.s32 s10, $0x1;
	s10 =	sld [smem:$0x3FB9];
	_ =	sdelay $0x3  }
0x34: {  	[smem:$0x3FB9] =	sst s10  }
0x35: {  	s10 =	sld [smem:$0x3FB8];
	_ =	sdelay $0x3  }
0x36: {  	p1 =	seq.s32 s10, $0x1;
	s10 =	sld [smem:$0x3FB9];
	_ =	sdelay $0x3  }
0x37: {  	[smem:$0x3FB9] =	sst s10  }
0x38: {  	s10 =	sld [smem:$0x3FBA]  }
0x39: {  	_ = 	snop;
	(pc) =	sbr.ind lr, $3  }
0x3a: {  	_ = 	snop  }
0x3b: {  	_ = 	snop  }
0x3c: {  	p2 =	seq.s32 s10, $0x1;
	s10 =	sld [smem:$0x3FB9]  }
0x3d: {  	_ =	shalt  }
0x3e: {  	_ =	shalt  }
0x3f: {  	_ =	shalt  }
0x40: {  	_ =	shalt  }
0x41: {  	_ =	shalt  }
0x42: {  	_ =	shalt  }
0x43: {  	_ =	shalt  }
0x44: {  	_ =	shalt  }
0x45: {  	_ =	shalt  }
0x46: {  	_ =	shalt  }
0x47: {  	_ =	shalt  }
0x48: {  	_ =	shalt  }
0x49: {  	_ =	shalt  }
0x4a: {  	_ =	shalt  }
0x4b: {  	_ =	shalt  }
0x4c: {  	_ =	shalt  }
0x4d: {  	_ =	shalt  }
0x4e: {  	_ =	shalt  }
0x4f: {  	_ =	shalt  }
0x50: {  	_ =	shalt  }
0x51: {  	_ =	shalt  }
0x52: {  	_ =	shalt  }
0x53: {  	_ =	shalt  }
0x54: {  	_ =	shalt  }
0x55: {  	_ =	shalt  }
0x56: {  	_ =	shalt  }
0x57: {  	_ =	shalt  }
0x58: {  	_ =	shalt  }
0x59: {  	_ =	shalt  }
0x5a: {  	_ =	shalt  }
0x5b: {  	_ =	shalt  }
0x5c: {  	_ =	shalt  }
0x5d: {  	_ =	shalt  }
0x5e: {  	_ =	shalt  }
0x5f: {  	_ =	shalt  }
0x60: {  	_ =	shalt  }
0x61: {  	_ =	shalt  }
0x62: {  	_ =	shalt  }
0x63: {  	_ =	shalt  }
0x64: {  	_ =	shalt  }
0x65: {  	_ =	shalt  }
0x66: {  	_ =	shalt  }
0x67: {  	_ =	shalt  }
0x68: {  	_ =	shalt  }
0x69: {  	_ =	shalt  }
0x6a: {  	_ =	shalt  }
0x6b: {  	_ =	shalt  }
0x6c: {  	_ =	shalt  }
0x6d: {  	_ =	shalt  }
0x6e: {  	_ =	shalt  }
0x6f: {  	_ =	shalt  }
0x70: {  	_ =	shalt  }
0x71: {  	_ =	shalt  }
0x72: {  	_ =	shalt  }
0x73: {  	_ =	shalt  }
0x74: {  	_ =	shalt  }
0x75: {  	_ =	shalt  }
0x76: {  	_ =	shalt  }
0x77: {  	_ =	shalt  }
0x78: {  	_ =	shalt  }
0x79: {  	_ =	shalt  }
0x7a: {  	_ =	shalt  }
0x7b: {  	_ =	shalt  }
0x7c: {  	_ =	shalt  }
0x7d: {  	_ =	shalt  }
0x7e: {  	_ =	shalt  }
0x7f: {  	_ =	shalt  }
0x80: {  	_ =	shalt  }
0x81: {  	_ =	shalt  }
0x82: {  	_ =	shalt  }
0x83: {  	_ =	shalt  }
0x84: {  	_ =	shalt  }
0x85: {  	_ =	shalt  }
0x86: {  	_ =	shalt  }
0x87: {  	_ =	shalt  }
.Lfunc_end0:
.L_simem_size_0:
called_computation_lowered:
.L_overlay_start_0:
0x88: {  	s2 =	sld [smem:$0x3FD9]  }
0x89: {  	s3 =	sld [smem:$0x3FFE];
	_ =	sdelay $0x1  }
0x8a: {  	s1 =	srdreg.scid  }
0x8b: {  	s0 =	sand.u32 $0x1, s1  }
0x8c: {  	s18 =	sshll.u32 s0, $0xA;
	s2 =	sadd.s32 s3, s2  }
0x8d: {  	s2 =	sadd.s32 s2, s18  }
0x8e: {  	[smem:$0x3FC5] =	sst s2  }
0x8f: {  	_ = 	snop  }
0x90: {  	s2 =	sld [smem:$0x3FC9]  }
0x91: {  	s19 =	sld [smem:$0x3FC8]  }
0x92: {  	s4 =	sld [smem:$0x3FC7]  }
0x93: {  	s5 =	sld [smem:$0x3FD0];
	(tm) =	ssettm $0x1  }
0x94: {  	s6 =	sld [smem:$0x3FFB];
	_ =	sdelay $0x3  }
0x95: {  	_ =	strace s6  }
0x96: {  	s6 =	sld [smem:$0x3FFC];
	_ =	sdelay $0x3  }
0x97: {  	_ =	strace s6  }
0x98: {  	s6 =	sld [smem:$0x3FFD];
	_ =	sdelay $0x3  }
0x99: {  	_ =	strace s6  }
0x9a: {  	_ =	strace $0x8FFFFFFF  }
0x9b: {  	s20 =	sld [smem:$0x3FDB];
	_ =	sdelay $0x1  }
0x9c: {  	s7 =	simm.s32 $_scs_section_size  }
0x9d: {  	s8 =	simm.s32 $_size__tile_overlayer_lowered;
	s9 =	simm.s32 $_tile_overlayer_lowered  }
0x9e: {  	s23 =	simm.s32 $0x1BFF;
	s22 =	sshll.u32 s9, $0x1;
	s6 =	sadd.s32 s7, s20  }
0x9f: {  	s10 =	simm.s32 $0x0;
	s21 =	sshll.u32 s8, $0x1;
	s8 =	sadd.s32 s22, s6  }
0xa0: {  	[timem:s10], [sflag:s23] =	dma.local [hbm:s8], s21  }
0xa1: {  	_ =	swait.ge [sflag:s23], s21  }
0xa2: {  	s7 =	ssub.s32 $0x0, s21;
	[sflag:s23] =	ssyncset.done $0x0  }
0xa3: {  	[sflag:s23] =	ssyncadd.s32 s7;
	_ =	sdelay $0x1  }
0xa4: {  	s24 =	simm.s32 $0x1B8B  }
0xa5: {  	_ =	swait.ge [sflag:s24], $0x1  }
0xa6: {  	[sflag:s24] =	ssyncset.done $0x0  }
0xa7: {  	s25 =	simm.s32 $0x1B8E;
	[sflag:s24] =	ssyncadd.s32 $0xFFFFFFFF  }
0xa8: {  	s26 =	simm.s32 $execute0_lowered;
	[smem:$0x3FD2] =	sst s25  }
0xa9: {  	s7 =	sshll.u32 s26, $0x1;
	_ =	strace $0x80000046;
	[dreg:$0x1] =	wrdreg $0xFFFFFFFF  }
0xaa: {  	s28 =	simm.s32 $_size_execute0_lowered;
	s6 =	sadd.s32 s6, s7;
	[dreg:$0x0] =	wrdreg $0x0  }
0xab: {  	s7 =	sshll.u32 s28, $0x1;
	[dreg:$0x2] =	wrdreg s6  }
0xac: {  	[dreg:$0x3] =	wrdreg s7  }
0xad: {  	[dreg:$0x4] =	wrdreg $0xC0  }
0xae: {  	_ =	task [dreg:s10], $0x5FFFF  }
0xaf: {  	[dreg:$0x1] =	wrdreg $0xFFFFFFFF  }
0xb0: {  	[dreg:$0x0] =	wrdreg $0x60  }
0xb1: {  	[dreg:$0x2] =	wrdreg s2  }
0xb2: {  	[dreg:$0x3] =	wrdreg s19  }
0xb3: {  	[dreg:$0x4] =	wrdreg s4  }
0xb4: {  	[dreg:$0x5] =	wrdreg s5  }
0xb5: {  	[dreg:$0x6] =	wrdreg $0x29800  }
0xb6: {  	[dreg:$0x7] =	wrdreg $0x2C200  }
0xb7: {  	[dreg:$0x8] =	wrdreg $0x9  }
0xb8: {  	_ =	task.clear_ibuf [dreg:s10], $0x9FFFF;
	_ =	strace $0x90000046  }
0xb9: {  	s29 =	simm.s32 $0x9;
	_ =	strace $0x80000048  }
0xba: {  	_ =	swait.ge [sflag:s29], $0x1  }
0xbb: {  	[sflag:s29] =	ssyncadd.s32 $0xFFFFFFFF  }
0xbc: {  	_ =	strace $0x90000048  }
0xbd: {  	_ =	sfence  }
0xbe: {  	s30 =	sld [smem:$0x0];
	_ =	sdelay $0x2  }
0xbf: {  	s31 =	sshll.u32 s1, $0xD;
	s1 =	sshrl.u32 s1, $0x2  }
0xc0: {  	s3 =	sand.u32 $0x4000, s31;
	s1 =	sadd.s32 s1, s30  }
0xc1: {  	s0 =	sor.u32 s3, s0;
	s1 =	sshll.u32 s1, $0x11  }
0xc2: {  	s0 =	sor.u32 s1, s0  }
0xc3: {  	s0 =	sadd.s32 $0x8F2B, s0  }
0xc4: {  	[sflag:s0] =	ssyncadd.remote.s32 $0x1  }
0xc5: {  	_ =	sfence.sel $0xFFFF  }
0xc6: {  	[dreg:$0x0] =	wrdreg $0xFFFFFFFF;
	(pc) =	sbr.abs _section_cstart, $3  }
0xc7: {  	[dreg:$0x1] =	wrdreg $0xFFFFFFFF  }
0xc8: {  	_ =	task.clear_ibuf [dreg:s10], $0x2FFFF;
	_ =	strace $0x9FFFFFFF  }
0xc9: {  	(tm) =	ssettm $0x7FFFFFFF  }
tec
execute0_lowered:
.L_overlay_start_1:
0x0: {  	(tag) =	ssettag $0x1  }
0x1: {  	s6 =	rddreg [dreg:$0x0]  }
0x2: {  	s0 =	rddreg [dreg:$0x1]  }
0x3: {  	s1 =	rddreg [dreg:$0x2]  }
0x4: {  	s8 =	rddreg [dreg:$0x3]  }
0x5: {  	s2 =	srdreg.scid;
	s3 =	rddreg [dreg:$0x4]  }
0x6: {  	s4 =	rddreg [dreg:$0x5];
	s9 =	stileid.u32;
	s5 =	simm.s32 $0x0  }
0x7: {  	s13 =	simm.s32 $0x80;
	s7 =	sand.u32 $0x1, s2;
	s2 =	rddreg [dreg:$0x6]  }
0x8: {  	s14 =	simm.s32 $0x2800;
	s15 =	simm.s32 $0x2880;
	[smem:$0x7FF] =	sst s5  }
0x9: {  	s17 =	sadd.s32 $0xA80, s8;
	p0 =	sne.s32 s9, $0x0;
	s16 =	sshll.u32 s7, $0x4  }
0xa: {  	s7 =	ssub.s32 $0x2, s7;
	_ =	strace $0x80000047;
	s12 =	sshrl.u32 @!p0 s4, $0x3  }
0xb: {  	s10 =	sor.u32 s9, s16;
	s11 =	sshrl.u32 s7, $0x1;
	s9 =	simm.s32 $0x1  }
0xc: {  	s10 =	smul.u32 $0x500, s10;
	s11 =	ssub.s32 s7, s11;
	s7 =	sadd.s32 s8, s16  }
0xd: {  	s16 =	sadd.s32 @!p0 s16, s17;
	s17 =	simm.s32 $0x0;
	s8 =	smax.u32 s11, $0x1  }
0xe: {  	s11 =	sshrl.u32 @!p0 s3, $0x3;
	s6 =	sadd.s32 s6, s10;
	s10 =	simm.s32 $0x2900  }
.LBB2_1:
0xf: {  	[tilespmem:s5], [sflag:$0x1] =	stream.linear.gather [hbm4b:s6+s5], $0x2800, $0x38;
	[tilespmem:$0x2EC0] =	vst v63  }
0x10: {  	_ =	swait.ge [sflag:s9], $0x2800  }
0x11: {  	[sflag:s9] =	ssyncset.done $0x0  }
0x12: {  	[sflag:s9] =	ssyncadd.s32 $0xFFFFD800  }
0x13: {  	[tilespmem:s10], [sflag:$0x1] =	stream.linear.gather [hbm4b:s0+s5], $0x80, $0x38;
	[tilespmem:$0x2EC0] =	vst v63  }
0x14: {  	_ =	swait.ge [sflag:s9], $0x80  }
0x15: {  	[sflag:s9] =	ssyncset.done $0x0  }
0x16: {  	s18 =	simm.s32 @!p0 $0x1C01;
	s19 =	simm.s32 @!p0 $0x1;
	[sflag:s9] =	ssyncadd.s32 $0xFFFFFF80  }
0x17: {  	[spmem:s11], [sflag:s18] =	dma.local @!p0 [hbm:s1], $0x540  }
0x18: {  	_ =	swait.ge @!p0 [sflag:s19], $0x540  }
0x19: {  	[sflag:s19] =	ssyncset.done @!p0 $0x0  }
0x1a: {  	[sflag:s19] =	ssyncadd.s32 @!p0 $0xFFFFFAC0  }
0x1b: {  	[spmem:s12], [sflag:s18] =	dma.local @!p0 [hbm:s1], $0x540  }
0x1c: {  	_ =	swait.ge @!p0 [sflag:s19], $0x540  }
0x1d: {  	[sflag:s19] =	ssyncset.done @!p0 $0x0  }
0x1e: {  	[sflag:s19] =	ssyncadd.s32 @!p0 $0xFFFFFAC0  }
0x1f: {  	s31 =	simm.s32 $0x0;
	[bflag:$0x0] =	sbarrier.arrive $0xFFFF  }
0x20: {  	v0 =	vld [tilespmem:s31+$0x0];
	_ =	sdelay $0x4  }
0x21: {  	v1 =	vand.u32 $0xFFFF, v0  }
0x22: {  	v0 =	vshrl.u32 v0, $0x10;
	[tilespmem:$0x2800] =	vst v1  }
0x23: {  	[tilespmem:$0x2810] =	vst v0  }
0x24: {  	v0 =	vld [tilespmem:s31+$0x10];
	_ =	sdelay $0x4  }
0x25: {  	v1 =	vand.u32 $0xFFFF, v0  }
0x26: {  	v0 =	vshrl.u32 v0, $0x10;
	[tilespmem:$0x2820] =	vst v1  }
0x27: {  	[tilespmem:$0x2830] =	vst v0  }
0x28: {  	v0 =	vld [tilespmem:s31+$0x20];
	_ =	sdelay $0x4  }
0x29: {  	v1 =	vand.u32 $0xFFFF, v0  }
0x2a: {  	v0 =	vshrl.u32 v0, $0x10;
	[tilespmem:$0x2840] =	vst v1  }
0x2b: {  	[tilespmem:$0x2850] =	vst v0  }
0x2c: {  	v0 =	vld [tilespmem:s31+$0x30];
	_ =	sdelay $0x4  }
0x2d: {  	v1 =	vand.u32 $0xFFFF, v0  }
0x2e: {  	v0 =	vshrl.u32 v0, $0x10;
	[tilespmem:$0x2860] =	vst v1  }
0x2f: {  	[tilespmem:$0x2870] =	vst v0  }
0x30: {  	v0 =	vld [tilespmem:s31+$0x40];
	_ =	sdelay $0x4  }
0x31: {  	v1 =	vand.u32 $0xFFFF, v0  }
0x32: {  	v0 =	vshrl.u32 v0, $0x10;
	[tilespmem:$0x2880] =	vst v1  }
0x33: {  	[tilespmem:$0x2890] =	vst v0  }
0x34: {  	v0 =	vld [tilespmem:s31+$0x50];
	_ =	sdelay $0x4  }
0x35: {  	v1 =	vand.u32 $0xFFFF, v0  }
0x36: {  	v0 =	vshrl.u32 v0, $0x10;
	[tilespmem:$0x28A0] =	vst v1  }
0x37: {  	[tilespmem:$0x28B0] =	vst v0  }
0x38: {  	v0 =	vld [tilespmem:s31+$0x60];
	_ =	sdelay $0x4  }
0x39: {  	v1 =	vand.u32 $0xFFFF, v0  }
0x3a: {  	v0 =	vshrl.u32 v0, $0x10;
	[tilespmem:$0x28C0] =	vst v1  }
0x3b: {  	[tilespmem:$0x28D0] =	vst v0  }
0x3c: {  	v0 =	vld [tilespmem:s31+$0x70];
	_ =	sdelay $0x4  }
0x3d: {  	v1 =	vand.u32 $0xFFFF, v0  }
0x3e: {  	s18 =	simm.s32 $0x200;
	v0 =	vshrl.u32 v0, $0x10;
	[tilespmem:$0x28E0] =	vst v1  }
.LBB2_2:
0x3f: {  	p1 =	sne.s32 s18, $0x9E00;
	[tilespmem:$0x28F0] =	vst v0;
	s19 =	smov.u32 s18;
	s18 =	sadd.s32 $0x200, s18  }
0x40: {  	[spmem:s3] =	stream.indirect.scatter.add.f32 [tilespmem:s10], [sflag:$0x1], $0x1, s14, s13, $0xb8;
	[tilespmem:$0x2EC0] =	vst v63  }
0x41: {  	_ =	swait.ge [sflag:s9], $0x80  }
0x42: {  	[sflag:s9] =	ssyncset.done $0x0  }
0x43: {  	[sflag:s9] =	ssyncadd.s32 $0xFFFFFF80  }
0x44: {  	[spmem:s4] =	stream.indirect.scatter.add.f32 [tilespmem:s10], [sflag:$0x1], $0x1, s15, s13, $0xb8;
	[tilespmem:$0x2EC0] =	vst v63  }
0x45: {  	_ =	swait.ge [sflag:s9], $0x80  }
0x46: {  	[sflag:s9] =	ssyncset.done $0x0  }
0x47: {  	s19 =	sshra.s32 s19, $0x2;
	[sflag:s9] =	ssyncadd.s32 $0xFFFFFF80  }
0x48: {  	v0 =	vld [tilespmem:s19+$0x0];
	_ =	sdelay $0x4  }
0x49: {  	v1 =	vand.u32 $0xFFFF, v0;
	v0 =	vshrl.u32 v0, $0x10  }
0x4a: {  	[tilespmem:$0x2800] =	vst v1  }
0x4b: {  	[tilespmem:$0x2810] =	vst v0  }
0x4c: {  	v0 =	vld [tilespmem:s19+$0x10];
	_ =	sdelay $0x4  }
0x4d: {  	v1 =	vand.u32 $0xFFFF, v0;
	v0 =	vshrl.u32 v0, $0x10  }
0x4e: {  	[tilespmem:$0x2820] =	vst v1  }
0x4f: {  	[tilespmem:$0x2830] =	vst v0  }
0x50: {  	v0 =	vld [tilespmem:s19+$0x20];
	_ =	sdelay $0x4  }
0x51: {  	v1 =	vand.u32 $0xFFFF, v0;
	v0 =	vshrl.u32 v0, $0x10  }
0x52: {  	[tilespmem:$0x2840] =	vst v1  }
0x53: {  	[tilespmem:$0x2850] =	vst v0  }
0x54: {  	v0 =	vld [tilespmem:s19+$0x30];
	_ =	sdelay $0x4  }
0x55: {  	v1 =	vand.u32 $0xFFFF, v0;
	v0 =	vshrl.u32 v0, $0x10  }
0x56: {  	[tilespmem:$0x2860] =	vst v1  }
0x57: {  	[tilespmem:$0x2870] =	vst v0  }
0x58: {  	v0 =	vld [tilespmem:s19+$0x40];
	_ =	sdelay $0x4  }
0x59: {  	v1 =	vand.u32 $0xFFFF, v0;
	v0 =	vshrl.u32 v0, $0x10  }
0x5a: {  	[tilespmem:$0x2880] =	vst v1  }
0x5b: {  	[tilespmem:$0x2890] =	vst v0  }
0x5c: {  	v0 =	vld [tilespmem:s19+$0x50];
	_ =	sdelay $0x4  }
0x5d: {  	v1 =	vand.u32 $0xFFFF, v0;
	v0 =	vshrl.u32 v0, $0x10  }
0x5e: {  	[tilespmem:$0x28A0] =	vst v1  }
0x5f: {  	[tilespmem:$0x28B0] =	vst v0  }
0x60: {  	v0 =	vld [tilespmem:s19+$0x60];
	_ =	sdelay $0x4  }
0x61: {  	v1 =	vand.u32 $0xFFFF, v0;
	v0 =	vshrl.u32 v0, $0x10  }
0x62: {  	[tilespmem:$0x28C0] =	vst v1  }
0x63: {  	[tilespmem:$0x28D0] =	vst v0  }
0x64: {  	v0 =	vld [tilespmem:s19+$0x70];
	_ =	sdelay $0x1  }
.Ltmp0:
0x65: {  	(pc) =	sbr.rel @p1 .LBB2_2-.Ltmp0, $3  }
0x66: {  	_ =	sdelay $0x1  }
0x67: {  	v1 =	vand.u32 $0xFFFF, v0;
	v0 =	vshrl.u32 v0, $0x10  }
0x68: {  	[tilespmem:$0x28E0] =	vst v1  }
0x69: {  	[tilespmem:$0x28F0] =	vst v0  }
0x6a: {  	[spmem:s3] =	stream.indirect.scatter.add.f32 [tilespmem:s10], [sflag:$0x1], $0x1, s14, s13, $0xb8;
	[tilespmem:$0x2EC0] =	vst v63  }
0x6b: {  	_ =	swait.ge [sflag:s9], $0x80  }
0x6c: {  	[sflag:s9] =	ssyncset.done $0x0  }
0x6d: {  	[sflag:s9] =	ssyncadd.s32 $0xFFFFFF80  }
0x6e: {  	[spmem:s4] =	stream.indirect.scatter.add.f32 [tilespmem:s10], [sflag:$0x1], $0x1, s15, s13, $0xb8;
	[tilespmem:$0x2EC0] =	vst v63  }
0x6f: {  	_ =	swait.ge [sflag:s9], $0x80  }
0x70: {  	[sflag:s9] =	ssyncset.done $0x0  }
0x71: {  	s18 =	simm.s32 @!p0 $0x1;
	s19 =	simm.s32 @!p0 $0x20;
	[sflag:s9] =	ssyncadd.s32 $0xFFFFFF80  }
0x72: {  	s20 =	simm.s32 @!p0 $0x10;
	s21 =	simm.s32 @!p0 $0x1C01;
	[bflag:$0x0] =	sbarrier.arrive $0xFFFF  }
0x73: {  	[hbm:s7@s19], [sflag:s21] =	dma.strided @!p0 [spmem:s11@s20], $0x540, s18, $0x10   }
0x74: {  	s17 =	sadd.s32 $0x1, s17;
	_ =	swait.ge @!p0 [sflag:s18], $0x540  }
0x75: {  	p1 =	sne.s32 s17, s8;
	[sflag:s18] =	ssyncset.done @!p0 $0x0  }
.Ltmp1:
0x76: {  	[sflag:s18] =	ssyncadd.s32 @!p0 $0xFFFFFAC0;
	(pc) =	sbr.rel @p1 .LBB2_1-.Ltmp1, $4  }
0x77: {  	[hbm:s16@s19], [sflag:s21] =	dma.strided @!p0 [spmem:s12@s20], $0x540, s18, $0x10   }
0x78: {  	_ =	swait.ge @!p0 [sflag:s18], $0x540  }
0x79: {  	[sflag:s18] =	ssyncset.done @!p0 $0x0  }
0x7a: {  	[sflag:s18] =	ssyncadd.s32 @!p0 $0xFFFFFAC0  }
0x7b: {  	_ =	sfence.sel $0x180000  }
0x7c: {  	[bflag:$0x0] =	sbarrier.arrive $0xFFFF  }
0x7d: {  	_ =	strace $0x90000047  }
0x7e: {  	s0 =	sadd.s32 @!p0 $0x100000, s2;
	[bflag:$0x2] =	sbarrier.arrive $0xFFFF  }
0x7f: {  	[sflag:s0] =	ssyncadd.tile.s32 @!p0 $0x1;
	_ =	shalt  }
.Lfunc_end2:
_tile_overlayer_lowered:
.L_overlay_start_2:
0x80: {  	(tag) =	ssettag $0x2  }
0x81: {  	s0 =	rddreg [dreg:$0x0];
	s2 =	stileid.u32  }
0x82: {  	s1 =	rddreg [dreg:$0x1];
	p0 =	sne.s32 s2, $0x0  }
0x83: {  	s3 =	rddreg [dreg:$0x2];
	[bflag:$0x3] =	sbarrier.arrive $0xFFFF;
	s2 =	simm.s32 @!p0 $0x1C01  }
0x84: {  	[timem:s3], [sflag:s2] =	dma.local @!p0 [hbm:s0], s1  }
0x85: {  	s0 =	simm.s32 @!p0 $0x1  }
0x86: {  	_ =	swait.ge @!p0 [sflag:s0], s1  }
0x87: {  	s1 =	ssub.s32 @!p0 $0x0, s1;
	[sflag:s0] =	ssyncset.done @!p0 $0x0  }
0x88: {  	[sflag:s0] =	ssyncadd.s32 @!p0 s1  }
0x89: {  	[bflag:$0x3] =	sbarrier.arrive $0xFFFF  }
0x8a: {  	_ =	shalt  }

</sc_bundles>
